<compile_context>
chip_gen: v7x
topology: tpu7x:2x2x1
jax: 0.10.2.dev20260603
libtpu: 0.0.44.dev20260713+nightly
codegen_flags: <defaults>
</compile_context>

<pallas_src>
import functools

import jax
import jax.numpy as jnp
from jax import lax
from jax.experimental import pallas as pl
from jax.experimental.pallas import tpu as pltpu
from jax.experimental.pallas import tpu_sc as plsc

_NUM_SPECIAL = 4
_NUM_FIXED = 100000
_NUM_LEARNED = 100000
_D = 64
_B = 4096 * 50
_NC = 2
_NS = 16
_NW = _NC * _NS
_BPW = _B // _NW
_W = 256
_NCHUNK = _BPW // _W
_IROWS = _W // 128
_L = 16

_REG = 100016
_BR = 5264
_NBLK = _REG // _BR


def _build_combined_kernel(fixed_ref, learned_ref, f0_ref, l0_ref, out_ref):
    i = pl.program_id(0)
    fixed_part = fixed_ref[...] + l0_ref[0:1, :]
    learned_part = learned_ref[...] + f0_ref[0:1, :]
    out_ref[:, 0:_D] = jnp.where(i < _NBLK, fixed_part, learned_part)


def _build_combined(fixed_table, learned_table, f0, l0):
    return pl.pallas_call(
        _build_combined_kernel,
        out_shape=jax.ShapeDtypeStruct((2 * _REG, 128), jnp.float32),
        grid=(2 * _NBLK,),
        in_specs=[
            pl.BlockSpec((_BR, _D), lambda i: (jnp.minimum(i, _NBLK - 1), 0)),
            pl.BlockSpec((_BR, _D), lambda i: (jnp.maximum(i - _NBLK, 0), 0)),
            pl.BlockSpec((8, _D), lambda i: (0, 0)),
            pl.BlockSpec((8, _D), lambda i: (0, 0)),
        ],
        out_specs=pl.BlockSpec((_BR, 128), lambda i: (i, 0)),
    )(fixed_table, learned_table, f0, l0)


def _gather_kernel(ids_hbm, c_hbm, out_hbm, ids_v, ci_v, rows_v, o_v, sem):
    wid = lax.axis_index("s") * _NC + lax.axis_index("c")

    @pl.loop(0, _NCHUNK)
    def _chunk(c):
        rowbase = (wid * _NCHUNK + c) * _W

        pltpu.sync_copy(ids_hbm.at[pl.ds(rowbase, _W)], ids_v)

        for j in range(_IROWS):
            @pl.loop(0, 128, step=_L)
            def _xf(k):
                ids = ids_v[pl.ds(j * 128 + k, _L)]
                z = jnp.zeros_like(ids)
                lo = jnp.maximum(ids - (_NUM_SPECIAL - 1), z)
                hi = ids + (_REG - (_NUM_SPECIAL + _NUM_FIXED - 1))
                ci_v[j, pl.ds(k, _L)] = jnp.where(
                    ids >= _NUM_SPECIAL + _NUM_FIXED, hi,
                    jnp.minimum(lo, _NUM_FIXED))

        copies = []
        for j in range(_IROWS):
            copies.append(pltpu.async_copy(
                c_hbm.at[ci_v.at[j]], rows_v.at[pl.ds(j * 128, 128)], sem))
        for cp in copies:
            cp.wait()

        @pl.loop(0, _W, step=2)
        def _compact(r):
            for u in range(2):
                for q in range(_D // _L):
                    sl = pl.ds(q * _L, _L)
                    o_v[r + u, sl] = rows_v[r + u, sl]

        pltpu.sync_copy(o_v, out_hbm.at[pl.ds(rowbase, _W)])


def kernel(ids_tensor, fixed_table, learned_table):
    ids_flat = ids_tensor.reshape(_B)
    combined = _build_combined(
        fixed_table, learned_table,
        jnp.tile(fixed_table[0:1], (8, 1)), jnp.tile(learned_table[0:1], (8, 1)))

    mesh = plsc.VectorSubcoreMesh(core_axis_name="c", subcore_axis_name="s")
    run = pl.kernel(
        _gather_kernel,
        out_type=jax.ShapeDtypeStruct((_B, _D), jnp.float32),
        mesh=mesh,
        scratch_types=[
            pltpu.VMEM((_W,), jnp.int32),
            pltpu.VMEM((_IROWS, 128), jnp.int32),
            pltpu.VMEM((_W, 128), jnp.float32),
            pltpu.VMEM((_W, _D), jnp.float32),
            pltpu.SemaphoreType.DMA,
        ],
    )
    out = run(ids_flat, combined)
    return out.reshape(ids_tensor.shape[0], ids_tensor.shape[1], _D)

# --- scband reference (transcript-rebuilt; emitter-appended) ---
"""Pipeline reference for scband-hybrid-embeddings-317827580211 (READ-ONLY COPY).

The authoritative reference and input builder live on the scoring server;
editing this copy changes nothing except your own understanding.
"""

import jax, jax.numpy as jnp
import numpy as np

NUM_SPECIAL = 4
NUM_FIXED = 100000
NUM_LEARNED = 100000
EMBED_DIM = 64
BATCH = 4096
HIST = 50


def transform_ids(ids, start, end):
    mask = ((ids >= start) & (ids < end)).astype(ids.dtype)
    return (ids - start + 1) * mask


def setup_inputs(seed: int = 0) -> dict:
    key = jax.random.key(seed)
    k1, k2, k3 = jax.random.split(key, 3)
    ids_tensor = jax.random.randint(
        k1, (BATCH, HIST), 0, NUM_SPECIAL + NUM_FIXED + NUM_LEARNED, dtype=jnp.int32
    )
    fixed_table = jax.random.normal(k2, (NUM_FIXED + 1, EMBED_DIM), dtype=jnp.float32)
    learned_table = jax.random.normal(k3, (NUM_LEARNED + 1, EMBED_DIM), dtype=jnp.float32)
    return {"ids_tensor": ids_tensor, "fixed_table": fixed_table, "learned_table": learned_table}


def reference(ids_tensor, fixed_table, learned_table):
    fixed_ids = transform_ids(ids_tensor, NUM_SPECIAL, NUM_SPECIAL + NUM_FIXED)
    learned_ids = transform_ids(
        ids_tensor, NUM_SPECIAL + NUM_FIXED, NUM_SPECIAL + NUM_FIXED + NUM_LEARNED
    )
    emb = jnp.take(fixed_table, fixed_ids, axis=0) + jnp.take(learned_table, learned_ids, axis=0)
    return emb

if __name__ == "__main__":
    import jax
    _d = setup_inputs()
    print(jax.jit(kernel)(*tuple(_d.values())))

</pallas_src>

<mosaic_0001>
#map = affine_map<(d0, d1) -> (0)>
#map1 = affine_map<(d0, d1) -> (0, 0)>
module attributes {stable_mosaic.version = 14 : i64} {
  func.func @_gather_kernel(%arg0: i32, %arg1: i32, %arg2: memref<204800xi32, #tpu.memory_space<hbm>>, %arg3: memref<200032x128xf32, #tpu.memory_space<hbm>>, %arg4: memref<204800x64xf32, #tpu.memory_space<hbm>>, %arg5: memref<256xi32, #tpu.memory_space<vmem>>, %arg6: memref<2x128xi32, #tpu.memory_space<vmem>>, %arg7: memref<256x128xf32, #tpu.memory_space<vmem>>, %arg8: memref<256x64xf32, #tpu.memory_space<vmem>>, %arg9: memref<!tpu.dma_semaphore, #tpu.memory_space<semaphore_mem>>) attributes {dimension_semantics = [#tpu.dimension_semantics<core_parallel>, #tpu.dimension_semantics<subcore_parallel>], iteration_bounds = array<i64: 2, 16>, scalar_prefetch = 0 : i64, scratch_operands = 5 : i64, tpu.core_type = #tpu.core_type<sc_vector_subcore>, window_params = [{transform_indices = #map}, {transform_indices = #map1}, {transform_indices = #map1}]} {
    %mul3A = arith.constant 2 : i32
    %mul3A_0 = arith.muli %arg1, %mul3A : i32
    %add3A = arith.addi %mul3A_0, %arg0 : i32
    %scan3A = arith.constant 0 : i32
    %scan3A_1 = arith.constant 25 : i32
    %scan3A_2 = arith.addi %scan3A, %scan3A_1 : i32
    %scan3A_3 = arith.constant 1 : i32
    scf.for %scan3A_5 = %scan3A to %scan3A_2 step %scan3A_3  : i32 {
      %mul3A_6 = arith.constant 1 : i32
      %mul3A_7 = arith.muli %scan3A_5, %mul3A_6 : i32
      %add3A_8 = arith.constant 0 : i32
      %add3A_9 = arith.addi %add3A_8, %mul3A_7 : i32
      %mul3A_10 = arith.constant 25 : i32
      %mul3A_11 = arith.muli %add3A, %mul3A_10 : i32
      %add3A_12 = arith.addi %mul3A_11, %add3A_9 : i32
      %mul3A_13 = arith.constant 256 : i32
      %mul3A_14 = arith.muli %add3A_12, %mul3A_13 : i32
      "tpu.region"() ({
        %run_scoped3A = tpu.sem_alloc : memref<!tpu.dma_semaphore, #tpu.memory_space<semaphore_mem>>
        %dma_start3A_68 = tpu.memref_slice %arg2[%mul3A_14] : memref<204800xi32, #tpu.memory_space<hbm>> -> memref<256xi32, #tpu.memory_space<hbm>>
        %dma_start3A_69 = tpu.memref_slice %arg2[%mul3A_14] : memref<204800xi32, #tpu.memory_space<hbm>> -> memref<256xi32, #tpu.memory_space<hbm>>
        tpu.enqueue_dma source(%dma_start3A_69 : memref<256xi32, #tpu.memory_space<hbm>>) target(%arg5 : memref<256xi32, #tpu.memory_space<vmem>>) target_semaphore(%run_scoped3A : memref<!tpu.dma_semaphore, #tpu.memory_space<semaphore_mem>>)
        %dma_wait3A_70 = tpu.memref_slice %arg2[%mul3A_14] : memref<204800xi32, #tpu.memory_space<hbm>> -> memref<256xi32, #tpu.memory_space<hbm>>
        %dma_wait3A_71 = tpu.memref_slice %arg2[%mul3A_14] : memref<204800xi32, #tpu.memory_space<hbm>> -> memref<256xi32, #tpu.memory_space<hbm>>
        tpu.wait_dma2 semaphore(%run_scoped3A : memref<!tpu.dma_semaphore, #tpu.memory_space<semaphore_mem>>) src(%dma_wait3A_71 : memref<256xi32, #tpu.memory_space<hbm>>) dst(%arg5 : memref<256xi32, #tpu.memory_space<vmem>>)
        tpu.yield
      }) : () -> ()
      %scan3A_15 = arith.constant 0 : i32
      %scan3A_16 = arith.constant 8 : i32
      %scan3A_17 = arith.addi %scan3A_15, %scan3A_16 : i32
      %scan3A_18 = arith.constant 1 : i32
      scf.for %scan3A_68 = %scan3A_15 to %scan3A_17 step %scan3A_18  : i32 {
        %mul3A_69 = arith.constant 16 : i32
        %mul3A_70 = arith.muli %scan3A_68, %mul3A_69 : i32
        %add3A_71 = arith.constant 0 : i32
        %add3A_72 = arith.addi %add3A_71, %mul3A_70 : i32
        %add3A_73 = arith.constant 0 : i32
        %add3A_74 = arith.addi %add3A_73, %add3A_72 : i32
        %get3A = arith.index_cast %add3A_74 : i32 to index
        %get3A_75 = tpu.vector_load %arg5[%get3A] {strides = array<i32>} : memref<256xi32, #tpu.memory_space<vmem>>, vector<16xi32>,
        %get3A_76 = vector.shape_cast %get3A_75 : vector<16xi32> to vector<16xi32>
        %broadcast_in_dim3A = arith.constant 0 : i32
        %broadcast_in_dim3A_77 = vector.broadcast %broadcast_in_dim3A : i32 to vector<16xi32>
        %sub3A = arith.constant 3 : i32
        %sub3A_78 = vector.broadcast %sub3A : i32 to vector<16xi32>
        %sub3A_79 = arith.subi %get3A_76, %sub3A_78 : vector<16xi32>
        %max3A = arith.maxsi %sub3A_79, %broadcast_in_dim3A_77 : vector<16xi32>
        %add3A_80 = arith.constant 13 : i32
        %add3A_81 = vector.broadcast %add3A_80 : i32 to vector<16xi32>
        %add3A_82 = arith.addi %get3A_76, %add3A_81 : vector<16xi32>
        %ge3A = arith.constant 100004 : i32
        %ge3A_83 = vector.broadcast %ge3A : i32 to vector<16xi32>
        %ge3A_84 = arith.cmpi sge, %get3A_76, %ge3A_83 : vector<16xi32>
        %min3A = arith.constant 100000 : i32
        %min3A_85 = vector.broadcast %min3A : i32 to vector<16xi32>
        %min3A_86 = arith.minsi %max3A, %min3A_85 : vector<16xi32>
        %select_n3A = arith.select %ge3A_84, %add3A_82, %min3A_86 : vector<16xi1>, vector<16xi32>
        %swap3A = arith.constant 0 : i32
        %swap3A_87 = arith.index_cast %swap3A : i32 to index
        %swap3A_88 = arith.index_cast %add3A_72 : i32 to index
        %swap3A_89 = tpu.vector_load %arg6[%swap3A_87, %swap3A_88] {strides = array<i32>} : memref<2x128xi32, #tpu.memory_space<vmem>>, vector<1x16xi32>,
        %swap3A_90 = vector.shape_cast %swap3A_89 : vector<1x16xi32> to vector<16xi32>
        %swap3A_91 = vector.shape_cast %select_n3A : vector<16xi32> to vector<1x16xi32>
        tpu.vector_store %arg6[%swap3A_87, %swap3A_88], %swap3A_91 {strides = array<i32>} : memref<2x128xi32, #tpu.memory_space<vmem>>, vector<1x16xi32>,
      }
      %scan3A_19 = arith.constant 8 : i32
      %scan3A_20 = arith.constant 0 : i32
      %scan3A_21 = arith.constant 8 : i32
      %scan3A_22 = arith.addi %scan3A_20, %scan3A_21 : i32
      %scan3A_23 = arith.constant 1 : i32
      scf.for %scan3A_68 = %scan3A_20 to %scan3A_22 step %scan3A_23  : i32 {
        %mul3A_69 = arith.constant 16 : i32
        %mul3A_70 = arith.muli %scan3A_68, %mul3A_69 : i32
        %add3A_71 = arith.constant 0 : i32
        %add3A_72 = arith.addi %add3A_71, %mul3A_70 : i32
        %add3A_73 = arith.constant 128 : i32
        %add3A_74 = arith.addi %add3A_73, %add3A_72 : i32
        %get3A = arith.index_cast %add3A_74 : i32 to index
        %get3A_75 = tpu.vector_load %arg5[%get3A] {strides = array<i32>} : memref<256xi32, #tpu.memory_space<vmem>>, vector<16xi32>,
        %get3A_76 = vector.shape_cast %get3A_75 : vector<16xi32> to vector<16xi32>
        %broadcast_in_dim3A = arith.constant 0 : i32
        %broadcast_in_dim3A_77 = vector.broadcast %broadcast_in_dim3A : i32 to vector<16xi32>
        %sub3A = arith.constant 3 : i32
        %sub3A_78 = vector.broadcast %sub3A : i32 to vector<16xi32>
        %sub3A_79 = arith.subi %get3A_76, %sub3A_78 : vector<16xi32>
        %max3A = arith.maxsi %sub3A_79, %broadcast_in_dim3A_77 : vector<16xi32>
        %add3A_80 = arith.constant 13 : i32
        %add3A_81 = vector.broadcast %add3A_80 : i32 to vector<16xi32>
        %add3A_82 = arith.addi %get3A_76, %add3A_81 : vector<16xi32>
        %ge3A = arith.constant 100004 : i32
        %ge3A_83 = vector.broadcast %ge3A : i32 to vector<16xi32>
        %ge3A_84 = arith.cmpi sge, %get3A_76, %ge3A_83 : vector<16xi32>
        %min3A = arith.constant 100000 : i32
        %min3A_85 = vector.broadcast %min3A : i32 to vector<16xi32>
        %min3A_86 = arith.minsi %max3A, %min3A_85 : vector<16xi32>
        %select_n3A = arith.select %ge3A_84, %add3A_82, %min3A_86 : vector<16xi1>, vector<16xi32>
        %swap3A = arith.constant 1 : i32
        %swap3A_87 = arith.index_cast %swap3A : i32 to index
        %swap3A_88 = arith.index_cast %add3A_72 : i32 to index
        %swap3A_89 = tpu.vector_load %arg6[%swap3A_87, %swap3A_88] {strides = array<i32>} : memref<2x128xi32, #tpu.memory_space<vmem>>, vector<1x16xi32>,
        %swap3A_90 = vector.shape_cast %swap3A_89 : vector<1x16xi32> to vector<16xi32>
        %swap3A_91 = vector.shape_cast %select_n3A : vector<16xi32> to vector<1x16xi32>
        tpu.vector_store %arg6[%swap3A_87, %swap3A_88], %swap3A_91 {strides = array<i32>} : memref<2x128xi32, #tpu.memory_space<vmem>>, vector<1x16xi32>,
      }
      %scan3A_24 = arith.constant 8 : i32
      %dma_start3A = arith.constant 0 : i32
      %dma_start3A_25 = arith.constant 0 : i32
      %dma_start3A_26 = arith.constant 0 : i32
      %dma_start3A_27 = tpu.memref_slice %arg7[%dma_start3A_25, %dma_start3A_26] : memref<256x128xf32, #tpu.memory_space<vmem>> -> memref<128x128xf32, #tpu.memory_space<vmem>>
      %dma_start3A_28 = arith.constant 0 : i32
      %dma_start3A_29 = tpu.memref_slice %arg6[%dma_start3A, %dma_start3A_28] : memref<2x128xi32, #tpu.memory_space<vmem>> -> memref<1x128xi32, #tpu.memory_space<vmem>>
      %dma_start3A_30 = tpu.memref_squeeze %dma_start3A_29 : memref<1x128xi32, #tpu.memory_space<vmem>> -> memref<128xi32, #tpu.memory_space<vmem>>
      %dma_start3A_31 = arith.constant 0 : i32
      %dma_start3A_32 = arith.constant 0 : i32
      %dma_start3A_33 = tpu.memref_slice %arg3[%dma_start3A_31, %dma_start3A_32] : memref<200032x128xf32, #tpu.memory_space<hbm>> -> memref<200032x128xf32, #tpu.memory_space<hbm>>
      tpu.enqueue_indirect_dma source(%dma_start3A_33 : memref<200032x128xf32, #tpu.memory_space<hbm>>) target(%dma_start3A_27 : memref<128x128xf32, #tpu.memory_space<vmem>>) offsets(%dma_start3A_30 : memref<128xi32, #tpu.memory_space<vmem>>) semaphore(%arg9 : memref<!tpu.dma_semaphore, #tpu.memory_space<semaphore_mem>>)
      %dma_start3A_34 = arith.constant 1 : i32
      %dma_start3A_35 = arith.constant 128 : i32
      %dma_start3A_36 = arith.constant 0 : i32
      %dma_start3A_37 = tpu.memref_slice %arg7[%dma_start3A_35, %dma_start3A_36] : memref<256x128xf32, #tpu.memory_space<vmem>> -> memref<128x128xf32, #tpu.memory_space<vmem>>
      %dma_start3A_38 = arith.constant 0 : i32
      %dma_start3A_39 = tpu.memref_slice %arg6[%dma_start3A_34, %dma_start3A_38] : memref<2x128xi32, #tpu.memory_space<vmem>> -> memref<1x128xi32, #tpu.memory_space<vmem>>
      %dma_start3A_40 = tpu.memref_squeeze %dma_start3A_39 : memref<1x128xi32, #tpu.memory_space<vmem>> -> memref<128xi32, #tpu.memory_space<vmem>>
      %dma_start3A_41 = arith.constant 0 : i32
      %dma_start3A_42 = arith.constant 0 : i32
      %dma_start3A_43 = tpu.memref_slice %arg3[%dma_start3A_41, %dma_start3A_42] : memref<200032x128xf32, #tpu.memory_space<hbm>> -> memref<200032x128xf32, #tpu.memory_space<hbm>>
      tpu.enqueue_indirect_dma source(%dma_start3A_43 : memref<200032x128xf32, #tpu.memory_space<hbm>>) target(%dma_start3A_37 : memref<128x128xf32, #tpu.memory_space<vmem>>) offsets(%dma_start3A_40 : memref<128xi32, #tpu.memory_space<vmem>>) semaphore(%arg9 : memref<!tpu.dma_semaphore, #tpu.memory_space<semaphore_mem>>)
      %dma_wait3A = arith.constant 0 : i32
      %dma_wait3A_44 = arith.constant 0 : i32
      %dma_wait3A_45 = arith.constant 0 : i32
      %dma_wait3A_46 = tpu.memref_slice %arg7[%dma_wait3A_44, %dma_wait3A_45] : memref<256x128xf32, #tpu.memory_space<vmem>> -> memref<128x128xf32, #tpu.memory_space<vmem>>
      %dma_wait3A_47 = arith.constant 0 : i32
      %dma_wait3A_48 = tpu.memref_slice %arg6[%dma_wait3A, %dma_wait3A_47] : memref<2x128xi32, #tpu.memory_space<vmem>> -> memref<1x128xi32, #tpu.memory_space<vmem>>
      %dma_wait3A_49 = tpu.memref_squeeze %dma_wait3A_48 : memref<1x128xi32, #tpu.memory_space<vmem>> -> memref<128xi32, #tpu.memory_space<vmem>>
      %dma_wait3A_50 = arith.constant 0 : i32
      %dma_wait3A_51 = arith.constant 0 : i32
      %dma_wait3A_52 = tpu.memref_slice %arg3[%dma_wait3A_50, %dma_wait3A_51] : memref<200032x128xf32, #tpu.memory_space<hbm>> -> memref<200032x128xf32, #tpu.memory_space<hbm>>
      tpu.wait_indirect_dma semaphore(%arg9 : memref<!tpu.dma_semaphore, #tpu.memory_space<semaphore_mem>>) src(%dma_wait3A_52 : memref<200032x128xf32, #tpu.memory_space<hbm>>) dst(%dma_wait3A_46 : memref<128x128xf32, #tpu.memory_space<vmem>>)
      %dma_wait3A_53 = arith.constant 1 : i32
      %dma_wait3A_54 = arith.constant 128 : i32
      %dma_wait3A_55 = arith.constant 0 : i32
      %dma_wait3A_56 = tpu.memref_slice %arg7[%dma_wait3A_54, %dma_wait3A_55] : memref<256x128xf32, #tpu.memory_space<vmem>> -> memref<128x128xf32, #tpu.memory_space<vmem>>
      %dma_wait3A_57 = arith.constant 0 : i32
      %dma_wait3A_58 = tpu.memref_slice %arg6[%dma_wait3A_53, %dma_wait3A_57] : memref<2x128xi32, #tpu.memory_space<vmem>> -> memref<1x128xi32, #tpu.memory_space<vmem>>
      %dma_wait3A_59 = tpu.memref_squeeze %dma_wait3A_58 : memref<1x128xi32, #tpu.memory_space<vmem>> -> memref<128xi32, #tpu.memory_space<vmem>>
      %dma_wait3A_60 = arith.constant 0 : i32
      %dma_wait3A_61 = arith.constant 0 : i32
      %dma_wait3A_62 = tpu.memref_slice %arg3[%dma_wait3A_60, %dma_wait3A_61] : memref<200032x128xf32, #tpu.memory_space<hbm>> -> memref<200032x128xf32, #tpu.memory_space<hbm>>
      tpu.wait_indirect_dma semaphore(%arg9 : memref<!tpu.dma_semaphore, #tpu.memory_space<semaphore_mem>>) src(%dma_wait3A_62 : memref<200032x128xf32, #tpu.memory_space<hbm>>) dst(%dma_wait3A_56 : memref<128x128xf32, #tpu.memory_space<vmem>>)
      %scan3A_63 = arith.constant 0 : i32
      %scan3A_64 = arith.constant 128 : i32
      %scan3A_65 = arith.addi %scan3A_63, %scan3A_64 : i32
      %scan3A_66 = arith.constant 1 : i32
      scf.for %scan3A_68 = %scan3A_63 to %scan3A_65 step %scan3A_66  : i32 {
        %mul3A_69 = arith.constant 2 : i32
        %mul3A_70 = arith.muli %scan3A_68, %mul3A_69 : i32
        %add3A_71 = arith.constant 0 : i32
        %add3A_72 = arith.addi %add3A_71, %mul3A_70 : i32
        %add3A_73 = arith.constant 0 : i32
        %add3A_74 = arith.addi %add3A_72, %add3A_73 : i32
        %get3A = arith.index_cast %add3A_74 : i32 to index
        %get3A_75 = arith.constant 0 : index
        %get3A_76 = tpu.vector_load %arg7[%get3A, %get3A_75] {strides = array<i32>} : memref<256x128xf32, #tpu.memory_space<vmem>>, vector<1x16xf32>,
        %get3A_77 = vector.shape_cast %get3A_76 : vector<1x16xf32> to vector<16xf32>
        %add3A_78 = arith.constant 0 : i32
        %add3A_79 = arith.addi %add3A_72, %add3A_78 : i32
        %swap3A = arith.index_cast %add3A_79 : i32 to index
        %swap3A_80 = arith.constant 0 : index
        %swap3A_81 = tpu.vector_load %arg8[%swap3A, %swap3A_80] {strides = array<i32>} : memref<256x64xf32, #tpu.memory_space<vmem>>, vector<1x16xf32>,
        %swap3A_82 = vector.shape_cast %swap3A_81 : vector<1x16xf32> to vector<16xf32>
        %swap3A_83 = vector.shape_cast %get3A_77 : vector<16xf32> to vector<1x16xf32>
        tpu.vector_store %arg8[%swap3A, %swap3A_80], %swap3A_83 {strides = array<i32>} : memref<256x64xf32, #tpu.memory_space<vmem>>, vector<1x16xf32>,
        %add3A_84 = arith.constant 0 : i32
        %add3A_85 = arith.addi %add3A_72, %add3A_84 : i32
        %get3A_86 = arith.index_cast %add3A_85 : i32 to index
        %get3A_87 = arith.constant 16 : index
        %get3A_88 = tpu.vector_load %arg7[%get3A_86, %get3A_87] {strides = array<i32>} : memref<256x128xf32, #tpu.memory_space<vmem>>, vector<1x16xf32>,
        %get3A_89 = vector.shape_cast %get3A_88 : vector<1x16xf32> to vector<16xf32>
        %add3A_90 = arith.constant 0 : i32
        %add3A_91 = arith.addi %add3A_72, %add3A_90 : i32
        %swap3A_92 = arith.index_cast %add3A_91 : i32 to index
        %swap3A_93 = arith.constant 16 : index
        %swap3A_94 = tpu.vector_load %arg8[%swap3A_92, %swap3A_93] {strides = array<i32>} : memref<256x64xf32, #tpu.memory_space<vmem>>, vector<1x16xf32>,
        %swap3A_95 = vector.shape_cast %swap3A_94 : vector<1x16xf32> to vector<16xf32>
        %swap3A_96 = vector.shape_cast %get3A_89 : vector<16xf32> to vector<1x16xf32>
        tpu.vector_store %arg8[%swap3A_92, %swap3A_93], %swap3A_96 {strides = array<i32>} : memref<256x64xf32, #tpu.memory_space<vmem>>, vector<1x16xf32>,
        %add3A_97 = arith.constant 0 : i32
        %add3A_98 = arith.addi %add3A_72, %add3A_97 : i32
        %get3A_99 = arith.index_cast %add3A_98 : i32 to index
        %get3A_100 = arith.constant 32 : index
        %get3A_101 = tpu.vector_load %arg7[%get3A_99, %get3A_100] {strides = array<i32>} : memref<256x128xf32, #tpu.memory_space<vmem>>, vector<1x16xf32>,
        %get3A_102 = vector.shape_cast %get3A_101 : vector<1x16xf32> to vector<16xf32>
        %add3A_103 = arith.constant 0 : i32
        %add3A_104 = arith.addi %add3A_72, %add3A_103 : i32
        %swap3A_105 = arith.index_cast %add3A_104 : i32 to index
        %swap3A_106 = arith.constant 32 : index
        %swap3A_107 = tpu.vector_load %arg8[%swap3A_105, %swap3A_106] {strides = array<i32>} : memref<256x64xf32, #tpu.memory_space<vmem>>, vector<1x16xf32>,
        %swap3A_108 = vector.shape_cast %swap3A_107 : vector<1x16xf32> to vector<16xf32>
        %swap3A_109 = vector.shape_cast %get3A_102 : vector<16xf32> to vector<1x16xf32>
        tpu.vector_store %arg8[%swap3A_105, %swap3A_106], %swap3A_109 {strides = array<i32>} : memref<256x64xf32, #tpu.memory_space<vmem>>, vector<1x16xf32>,
        %add3A_110 = arith.constant 0 : i32
        %add3A_111 = arith.addi %add3A_72, %add3A_110 : i32
        %get3A_112 = arith.index_cast %add3A_111 : i32 to index
        %get3A_113 = arith.constant 48 : index
        %get3A_114 = tpu.vector_load %arg7[%get3A_112, %get3A_113] {strides = array<i32>} : memref<256x128xf32, #tpu.memory_space<vmem>>, vector<1x16xf32>,
        %get3A_115 = vector.shape_cast %get3A_114 : vector<1x16xf32> to vector<16xf32>
        %add3A_116 = arith.constant 0 : i32
        %add3A_117 = arith.addi %add3A_72, %add3A_116 : i32
        %swap3A_118 = arith.index_cast %add3A_117 : i32 to index
        %swap3A_119 = arith.constant 48 : index
        %swap3A_120 = tpu.vector_load %arg8[%swap3A_118, %swap3A_119] {strides = array<i32>} : memref<256x64xf32, #tpu.memory_space<vmem>>, vector<1x16xf32>,
        %swap3A_121 = vector.shape_cast %swap3A_120 : vector<1x16xf32> to vector<16xf32>
        %swap3A_122 = vector.shape_cast %get3A_115 : vector<16xf32> to vector<1x16xf32>
        tpu.vector_store %arg8[%swap3A_118, %swap3A_119], %swap3A_122 {strides = array<i32>} : memref<256x64xf32, #tpu.memory_space<vmem>>, vector<1x16xf32>,
        %add3A_123 = arith.constant 1 : i32
        %add3A_124 = arith.addi %add3A_72, %add3A_123 : i32
        %get3A_125 = arith.index_cast %add3A_124 : i32 to index
        %get3A_126 = arith.constant 0 : index
        %get3A_127 = tpu.vector_load %arg7[%get3A_125, %get3A_126] {strides = array<i32>} : memref<256x128xf32, #tpu.memory_space<vmem>>, vector<1x16xf32>,
        %get3A_128 = vector.shape_cast %get3A_127 : vector<1x16xf32> to vector<16xf32>
        %add3A_129 = arith.constant 1 : i32
        %add3A_130 = arith.addi %add3A_72, %add3A_129 : i32
        %swap3A_131 = arith.index_cast %add3A_130 : i32 to index
        %swap3A_132 = arith.constant 0 : index
        %swap3A_133 = tpu.vector_load %arg8[%swap3A_131, %swap3A_132] {strides = array<i32>} : memref<256x64xf32, #tpu.memory_space<vmem>>, vector<1x16xf32>,
        %swap3A_134 = vector.shape_cast %swap3A_133 : vector<1x16xf32> to vector<16xf32>
        %swap3A_135 = vector.shape_cast %get3A_128 : vector<16xf32> to vector<1x16xf32>
        tpu.vector_store %arg8[%swap3A_131, %swap3A_132], %swap3A_135 {strides = array<i32>} : memref<256x64xf32, #tpu.memory_space<vmem>>, vector<1x16xf32>,
        %add3A_136 = arith.constant 1 : i32
        %add3A_137 = arith.addi %add3A_72, %add3A_136 : i32
        %get3A_138 = arith.index_cast %add3A_137 : i32 to index
        %get3A_139 = arith.constant 16 : index
        %get3A_140 = tpu.vector_load %arg7[%get3A_138, %get3A_139] {strides = array<i32>} : memref<256x128xf32, #tpu.memory_space<vmem>>, vector<1x16xf32>,
        %get3A_141 = vector.shape_cast %get3A_140 : vector<1x16xf32> to vector<16xf32>
        %add3A_142 = arith.constant 1 : i32
        %add3A_143 = arith.addi %add3A_72, %add3A_142 : i32
        %swap3A_144 = arith.index_cast %add3A_143 : i32 to index
        %swap3A_145 = arith.constant 16 : index
        %swap3A_146 = tpu.vector_load %arg8[%swap3A_144, %swap3A_145] {strides = array<i32>} : memref<256x64xf32, #tpu.memory_space<vmem>>, vector<1x16xf32>,
        %swap3A_147 = vector.shape_cast %swap3A_146 : vector<1x16xf32> to vector<16xf32>
        %swap3A_148 = vector.shape_cast %get3A_141 : vector<16xf32> to vector<1x16xf32>
        tpu.vector_store %arg8[%swap3A_144, %swap3A_145], %swap3A_148 {strides = array<i32>} : memref<256x64xf32, #tpu.memory_space<vmem>>, vector<1x16xf32>,
        %add3A_149 = arith.constant 1 : i32
        %add3A_150 = arith.addi %add3A_72, %add3A_149 : i32
        %get3A_151 = arith.index_cast %add3A_150 : i32 to index
        %get3A_152 = arith.constant 32 : index
        %get3A_153 = tpu.vector_load %arg7[%get3A_151, %get3A_152] {strides = array<i32>} : memref<256x128xf32, #tpu.memory_space<vmem>>, vector<1x16xf32>,
        %get3A_154 = vector.shape_cast %get3A_153 : vector<1x16xf32> to vector<16xf32>
        %add3A_155 = arith.constant 1 : i32
        %add3A_156 = arith.addi %add3A_72, %add3A_155 : i32
        %swap3A_157 = arith.index_cast %add3A_156 : i32 to index
        %swap3A_158 = arith.constant 32 : index
        %swap3A_159 = tpu.vector_load %arg8[%swap3A_157, %swap3A_158] {strides = array<i32>} : memref<256x64xf32, #tpu.memory_space<vmem>>, vector<1x16xf32>,
        %swap3A_160 = vector.shape_cast %swap3A_159 : vector<1x16xf32> to vector<16xf32>
        %swap3A_161 = vector.shape_cast %get3A_154 : vector<16xf32> to vector<1x16xf32>
        tpu.vector_store %arg8[%swap3A_157, %swap3A_158], %swap3A_161 {strides = array<i32>} : memref<256x64xf32, #tpu.memory_space<vmem>>, vector<1x16xf32>,
        %add3A_162 = arith.constant 1 : i32
        %add3A_163 = arith.addi %add3A_72, %add3A_162 : i32
        %get3A_164 = arith.index_cast %add3A_163 : i32 to index
        %get3A_165 = arith.constant 48 : index
        %get3A_166 = tpu.vector_load %arg7[%get3A_164, %get3A_165] {strides = array<i32>} : memref<256x128xf32, #tpu.memory_space<vmem>>, vector<1x16xf32>,
        %get3A_167 = vector.shape_cast %get3A_166 : vector<1x16xf32> to vector<16xf32>
        %add3A_168 = arith.constant 1 : i32
        %add3A_169 = arith.addi %add3A_72, %add3A_168 : i32
        %swap3A_170 = arith.index_cast %add3A_169 : i32 to index
        %swap3A_171 = arith.constant 48 : index
        %swap3A_172 = tpu.vector_load %arg8[%swap3A_170, %swap3A_171] {strides = array<i32>} : memref<256x64xf32, #tpu.memory_space<vmem>>, vector<1x16xf32>,
        %swap3A_173 = vector.shape_cast %swap3A_172 : vector<1x16xf32> to vector<16xf32>
        %swap3A_174 = vector.shape_cast %get3A_167 : vector<16xf32> to vector<1x16xf32>
        tpu.vector_store %arg8[%swap3A_170, %swap3A_171], %swap3A_174 {strides = array<i32>} : memref<256x64xf32, #tpu.memory_space<vmem>>, vector<1x16xf32>,
      }
      %scan3A_67 = arith.constant 128 : i32
      "tpu.region"() ({
        %run_scoped3A = tpu.sem_alloc : memref<!tpu.dma_semaphore, #tpu.memory_space<semaphore_mem>>
        %dma_start3A_68 = arith.constant 0 : i32
        %dma_start3A_69 = tpu.memref_slice %arg4[%mul3A_14, %dma_start3A_68] : memref<204800x64xf32, #tpu.memory_space<hbm>> -> memref<256x64xf32, #tpu.memory_space<hbm>>
        %dma_start3A_70 = arith.constant 0 : i32
        %dma_start3A_71 = tpu.memref_slice %arg4[%mul3A_14, %dma_start3A_70] : memref<204800x64xf32, #tpu.memory_space<hbm>> -> memref<256x64xf32, #tpu.memory_space<hbm>>
        tpu.enqueue_dma source(%arg8 : memref<256x64xf32, #tpu.memory_space<vmem>>) target(%dma_start3A_71 : memref<256x64xf32, #tpu.memory_space<hbm>>) target_semaphore(%run_scoped3A : memref<!tpu.dma_semaphore, #tpu.memory_space<semaphore_mem>>)
        %dma_wait3A_72 = arith.constant 0 : i32
        %dma_wait3A_73 = tpu.memref_slice %arg4[%mul3A_14, %dma_wait3A_72] : memref<204800x64xf32, #tpu.memory_space<hbm>> -> memref<256x64xf32, #tpu.memory_space<hbm>>
        %dma_wait3A_74 = arith.constant 0 : i32
        %dma_wait3A_75 = tpu.memref_slice %arg4[%mul3A_14, %dma_wait3A_74] : memref<204800x64xf32, #tpu.memory_space<hbm>> -> memref<256x64xf32, #tpu.memory_space<hbm>>
        tpu.wait_dma2 semaphore(%run_scoped3A : memref<!tpu.dma_semaphore, #tpu.memory_space<semaphore_mem>>) src(%arg8 : memref<256x64xf32, #tpu.memory_space<vmem>>) dst(%dma_wait3A_75 : memref<256x64xf32, #tpu.memory_space<hbm>>)
        tpu.yield
      }) : () -> ()
    }
    %scan3A_4 = arith.constant 25 : i32
    return
  }
}

module attributes {stable_mosaic.version = 14 : i64} {
  func.func @_build_combined_kernel(%arg0: i32, %arg1: memref<5264x64xf32, #tpu.memory_space<vmem>>, %arg2: memref<5264x64xf32, #tpu.memory_space<vmem>>, %arg3: memref<8x64xf32, #tpu.memory_space<vmem>>, %arg4: memref<8x64xf32, #tpu.memory_space<vmem>>, %arg5: memref<5264x128xf32, #tpu.memory_space<vmem>>) attributes {dimension_semantics = [#tpu.dimension_semantics<arbitrary>], iteration_bounds = array<i64: 38>, scalar_prefetch = 0 : i64, scratch_operands = 0 : i64, tpu.core_type = #tpu.core_type<tc>, window_params = [{transform_indices = @transform_0, window_bounds = array<i64: 5264, 64>}, {transform_indices = @transform_1, window_bounds = array<i64: 5264, 64>}, {pipeline_mode = #tpu.pipeline_mode<synchronous>, transform_indices = @transform_2, window_bounds = array<i64: 8, 64>}, {pipeline_mode = #tpu.pipeline_mode<synchronous>, transform_indices = @transform_3, window_bounds = array<i64: 8, 64>}, {transform_indices = @transform_4, window_bounds = array<i64: 5264, 128>}]} {
    %get3A = arith.constant 0 : index
    %get3A_0 = arith.constant 0 : index
    %get3A_1 = vector.load %arg1[%get3A, %get3A_0] : memref<5264x64xf32, #tpu.memory_space<vmem>>, vector<5264x64xf32>
    %get3A_2 = arith.constant 0 : index
    %get3A_3 = arith.constant 0 : index
    %get3A_4 = vector.load %arg4[%get3A_2, %get3A_3] : memref<8x64xf32, #tpu.memory_space<vmem>>, vector<1x64xf32>
    %add3A = vector.broadcast %get3A_4 : vector<1x64xf32> to vector<5264x64xf32>
    %add3A_5 = arith.addf %get3A_1, %add3A : vector<5264x64xf32>
    %get3A_6 = arith.constant 0 : index
    %get3A_7 = arith.constant 0 : index
    %get3A_8 = vector.load %arg2[%get3A_6, %get3A_7] : memref<5264x64xf32, #tpu.memory_space<vmem>>, vector<5264x64xf32>
    %get3A_9 = arith.constant 0 : index
    %get3A_10 = arith.constant 0 : index
    %get3A_11 = vector.load %arg3[%get3A_9, %get3A_10] : memref<8x64xf32, #tpu.memory_space<vmem>>, vector<1x64xf32>
    %add3A_12 = vector.broadcast %get3A_11 : vector<1x64xf32> to vector<5264x64xf32>
    %add3A_13 = arith.addf %get3A_8, %add3A_12 : vector<5264x64xf32>
    %lt3A = arith.constant 19 : i32
    %lt3A_14 = arith.cmpi slt, %arg0, %lt3A : i32
    %select_n3A = arith.select %lt3A_14, %add3A_5, %add3A_13 : vector<5264x64xf32>
    %swap3A = arith.constant 0 : index
    %swap3A_15 = arith.constant 0 : index
    %swap3A_16 = vector.load %arg5[%swap3A, %swap3A_15] : memref<5264x128xf32, #tpu.memory_space<vmem>>, vector<5264x64xf32>
    tpu.vector_store %arg5[%swap3A, %swap3A_15], %select_n3A {strides = array<i32>} : memref<5264x128xf32, #tpu.memory_space<vmem>>, vector<5264x64xf32>,
    return
  }
  func.func @transform_0(%arg0: i32) -> (i32, i32) {
    %min3A = arith.constant 18 : i32
    %min3A_0 = arith.minsi %arg0, %min3A : i32
    %c0_i32 = arith.constant 0 : i32
    %c0_i32_1 = arith.constant 0 : i32
    return %min3A_0, %c0_i32 : i32, i32
  }
  func.func @transform_1(%arg0: i32) -> (i32, i32) {
    %sub3A = arith.constant 19 : i32
    %sub3A_0 = arith.subi %arg0, %sub3A : i32
    %max3A = arith.constant 0 : i32
    %max3A_1 = arith.maxsi %sub3A_0, %max3A : i32
    %c0_i32 = arith.constant 0 : i32
    %c0_i32_2 = arith.constant 0 : i32
    return %max3A_1, %c0_i32 : i32, i32
  }
  func.func @transform_2(%arg0: i32) -> (i32, i32) {
    %c0_i32 = arith.constant 0 : i32
    %c0_i32_0 = arith.constant 0 : i32
    %c0_i32_1 = arith.constant 0 : i32
    return %c0_i32, %c0_i32_0 : i32, i32
  }
  func.func @transform_3(%arg0: i32) -> (i32, i32) {
    %c0_i32 = arith.constant 0 : i32
    %c0_i32_0 = arith.constant 0 : i32
    %c0_i32_1 = arith.constant 0 : i32
    return %c0_i32, %c0_i32_0 : i32, i32
  }
  func.func @transform_4(%arg0: i32) -> (i32, i32) {
    %c0_i32 = arith.constant 0 : i32
    %c0_i32_0 = arith.constant 0 : i32
    return %arg0, %c0_i32 : i32, i32
  }
}

</mosaic_0001>

<sc_bundles>
// kernel: kernel.4.cloned.1.call-start
scs
__scs_entry_jumppad:
0x0: {  	(pc) =	sbr.rel $0x88, $3  }
0x1: {  	(tag) =	ssettag $0x0;
	lr =	simm.s32 $0x1  }
0x2: {  	[smem:$0x3F9E] =	sst lr;
	_ =	strace $0xD0000000  }
0x3: {  	_ = 	snop  }
0x4: {  	_ = 	snop  }
0x5: {  	_ = 	snop  }
0x6: {  	_ = 	snop  }
0x7: {  	_ = 	snop  }
__scs_overlays_trampoline_lowered:
0x8: {  	[smem:$0x3FAD] =	sst s0  }
0x9: {  	[smem:$0x3FAE] =	sst s1  }
0xa: {  	[smem:$0x3FAF] =	sst s2  }
0xb: {  	[smem:$0x3FB0] =	sst s3  }
0xc: {  	[smem:$0x3FB1] =	sst s4  }
0xd: {  	[smem:$0x3FB2] =	sst s5  }
0xe: {  	[smem:$0x3FB3] =	sst s6  }
0xf: {  	[smem:$0x3FB4] =	sst s7  }
0x10: {  	[smem:$0x3FB5] =	sst s8  }
0x11: {  	[smem:$0x3FB6] =	sst s9;
	s0 =	simm.s32 @!p0 $0x0  }
0x12: {  	s1 =	sld [smem:$0x3F9C];
	s0 =	simm.s32 @p0 $0x1  }
0x13: {  	[smem:$0x3FB7] =	sst s0;
	s0 =	simm.s32 @!p1 $0x0  }
0x14: {  	s2 =	sld [smem:$0x3F9B];
	s0 =	simm.s32 @p1 $0x1  }
0x15: {  	[smem:$0x3FB8] =	sst s0;
	s0 =	simm.s32 @!p2 $0x0  }
0x16: {  	s3 =	sld [smem:$0x3FDB];
	s0 =	simm.s32 @p2 $0x1  }
0x17: {  	s4 =	simm.s32 $0x1BF5;
	[smem:$0x3FBA] =	sst s0  }
0x18: {  	s0 =	sld [smem:$0x3F9D];
	_ =	swait.ge [sflag:s4], $0x0  }
0x19: {  	s7 =	sld [smem:$0x3F9E]  }
0x1a: {  	s8 =	sadd.s32 $0xFFFFE003, lr  }
0x1b: {  	s9 =	sadd.s32 $0xFFFFFEF7, lr;
	s5 =	simm.s32 $0xFFFFFFFF;
	p2 =	slt.u32 s8, $0xFFFFF086  }
0x1c: {  	p1 =	slt.u32 s9, $0xF7A;
	s5 =	simm.s32 @!p2 $0x0  }
0x1d: {  	s5 =	simm.s32 @p1 $0x1;
	p0 =	seq.s32 s7, s2  }
0x1e: {  	s7 =	smul.u32 @!p0 $0xF7A, s2;
	p2 =	seq.s32 @!p0 s5, $0x0  }
0x1f: {  	s9 =	smul.u32 $0xF7A, s1;
	s8 =	simm.s32 @!p0 $0x1BF5;
	p2 =	por !p2, p0  }
0x20: {  	[sflag:s8] =	ssyncset.s32 @!p0 $0xFFFFF086;
	s6 =	sadd.s32 @!p0 s3, s7;
	s7 =	simm.s32 @!p0 $0x108  }
0x21: {  	s3 =	sadd.s32 s3, s9;
	s6 =	sadd.s32 @!p0 $0x88, s6;
	s7 =	simm.s32 @p2 $0x1082  }
0x22: {  	[simem:s7], [sflag:s8] =	dma.local @!p0 [hbm:s6], $0xF7A  }
0x23: {  	s9 =	sor.u32 $0xD0000000, s2;
	s6 =	simm.s32 $0x108;
	_ =	swait.ge @!p0 [sflag:s8], $0x0  }
0x24: {  	s3 =	sadd.s32 $0x88, s3;
	s6 =	simm.s32 @!p1 $0x1082;
	[sflag:s4] =	ssyncset.s32 $0xFFFFF086  }
0x25: {  	[simem:s6], [sflag:s4] =	dma.local [hbm:s3], $0xF7A  }
0x26: {  	[smem:$0x3F9E] =	sst s1;
	(tag) =	ssettag s2;
	_ =	strace s9  }
0x27: {  	s1 =	sld [smem:$0x3FAE]  }
0x28: {  	s2 =	sld [smem:$0x3FAF]  }
0x29: {  	s4 =	sld [smem:$0x3FB1]  }
0x2a: {  	p0 =	seq.s32 s5, $0x0;
	s5 =	sld [smem:$0x3FB2]  }
0x2b: {  	s6 =	sld [smem:$0x3FB3]  }
0x2c: {  	s7 =	sld [smem:$0x3FB4]  }
0x2d: {  	s3 =	simm.s32 $0x108;
	s8 =	sld [smem:$0x3FB5]  }
0x2e: {  	s3 =	simm.s32 @!p0 $0x1082;
	s9 =	sld [smem:$0x3FB6]  }
0x2f: {  	lr =	sadd.s32 s0, s3;
	s0 =	sld [smem:$0x3FAD]  }
0x30: {  	s3 =	sld [smem:$0x3FB0]  }
0x31: {  	[smem:$0x3FB9] =	sst s10  }
0x32: {  	s10 =	sld [smem:$0x3FB7];
	_ =	sdelay $0x3  }
0x33: {  	p0 =	seq.s32 s10, $0x1;
	s10 =	sld [smem:$0x3FB9];
	_ =	sdelay $0x3  }
0x34: {  	[smem:$0x3FB9] =	sst s10  }
0x35: {  	s10 =	sld [smem:$0x3FB8];
	_ =	sdelay $0x3  }
0x36: {  	p1 =	seq.s32 s10, $0x1;
	s10 =	sld [smem:$0x3FB9];
	_ =	sdelay $0x3  }
0x37: {  	[smem:$0x3FB9] =	sst s10  }
0x38: {  	s10 =	sld [smem:$0x3FBA]  }
0x39: {  	_ = 	snop;
	(pc) =	sbr.ind lr, $3  }
0x3a: {  	_ = 	snop  }
0x3b: {  	_ = 	snop  }
0x3c: {  	p2 =	seq.s32 s10, $0x1;
	s10 =	sld [smem:$0x3FB9]  }
0x3d: {  	_ =	shalt  }
0x3e: {  	_ =	shalt  }
0x3f: {  	_ =	shalt  }
0x40: {  	_ =	shalt  }
0x41: {  	_ =	shalt  }
0x42: {  	_ =	shalt  }
0x43: {  	_ =	shalt  }
0x44: {  	_ =	shalt  }
0x45: {  	_ =	shalt  }
0x46: {  	_ =	shalt  }
0x47: {  	_ =	shalt  }
0x48: {  	_ =	shalt  }
0x49: {  	_ =	shalt  }
0x4a: {  	_ =	shalt  }
0x4b: {  	_ =	shalt  }
0x4c: {  	_ =	shalt  }
0x4d: {  	_ =	shalt  }
0x4e: {  	_ =	shalt  }
0x4f: {  	_ =	shalt  }
0x50: {  	_ =	shalt  }
0x51: {  	_ =	shalt  }
0x52: {  	_ =	shalt  }
0x53: {  	_ =	shalt  }
0x54: {  	_ =	shalt  }
0x55: {  	_ =	shalt  }
0x56: {  	_ =	shalt  }
0x57: {  	_ =	shalt  }
0x58: {  	_ =	shalt  }
0x59: {  	_ =	shalt  }
0x5a: {  	_ =	shalt  }
0x5b: {  	_ =	shalt  }
0x5c: {  	_ =	shalt  }
0x5d: {  	_ =	shalt  }
0x5e: {  	_ =	shalt  }
0x5f: {  	_ =	shalt  }
0x60: {  	_ =	shalt  }
0x61: {  	_ =	shalt  }
0x62: {  	_ =	shalt  }
0x63: {  	_ =	shalt  }
0x64: {  	_ =	shalt  }
0x65: {  	_ =	shalt  }
0x66: {  	_ =	shalt  }
0x67: {  	_ =	shalt  }
0x68: {  	_ =	shalt  }
0x69: {  	_ =	shalt  }
0x6a: {  	_ =	shalt  }
0x6b: {  	_ =	shalt  }
0x6c: {  	_ =	shalt  }
0x6d: {  	_ =	shalt  }
0x6e: {  	_ =	shalt  }
0x6f: {  	_ =	shalt  }
0x70: {  	_ =	shalt  }
0x71: {  	_ =	shalt  }
0x72: {  	_ =	shalt  }
0x73: {  	_ =	shalt  }
0x74: {  	_ =	shalt  }
0x75: {  	_ =	shalt  }
0x76: {  	_ =	shalt  }
0x77: {  	_ =	shalt  }
0x78: {  	_ =	shalt  }
0x79: {  	_ =	shalt  }
0x7a: {  	_ =	shalt  }
0x7b: {  	_ =	shalt  }
0x7c: {  	_ =	shalt  }
0x7d: {  	_ =	shalt  }
0x7e: {  	_ =	shalt  }
0x7f: {  	_ =	shalt  }
0x80: {  	_ =	shalt  }
0x81: {  	_ =	shalt  }
0x82: {  	_ =	shalt  }
0x83: {  	_ =	shalt  }
0x84: {  	_ =	shalt  }
0x85: {  	_ =	shalt  }
0x86: {  	_ =	shalt  }
0x87: {  	_ =	shalt  }
.Lfunc_end0:
.L_simem_size_0:
called_computation.1_lowered:
.L_overlay_start_0:
0x88: {  	s2 =	sld [smem:$0x3FD9]  }
0x89: {  	s3 =	sld [smem:$0x3FFE];
	_ =	sdelay $0x1  }
0x8a: {  	s1 =	srdreg.scid  }
0x8b: {  	s0 =	sand.u32 $0x1, s1  }
0x8c: {  	s16 =	sshll.u32 s0, $0xA;
	s2 =	sadd.s32 s3, s2  }
0x8d: {  	s2 =	sadd.s32 s2, s16  }
0x8e: {  	[smem:$0x3FC5] =	sst s2  }
0x8f: {  	_ = 	snop  }
0x90: {  	(tm) =	ssettm $0x1  }
0x91: {  	s17 =	sld [smem:$0x3FFB];
	_ =	sdelay $0x3  }
0x92: {  	_ =	strace s17  }
0x93: {  	s2 =	sld [smem:$0x3FFC];
	_ =	sdelay $0x3  }
0x94: {  	_ =	strace s2  }
0x95: {  	s2 =	sld [smem:$0x3FFD];
	_ =	sdelay $0x3  }
0x96: {  	_ =	strace s2  }
0x97: {  	_ =	strace $0x8FFFFFFF  }
0x98: {  	s18 =	sld [smem:$0x3FDB];
	_ =	sdelay $0x1  }
0x99: {  	s19 =	simm.s32 $_scs_section_size  }
0x9a: {  	s4 =	simm.s32 $_size__tile_overlayer_lowered;
	s5 =	simm.s32 $_tile_overlayer_lowered  }
0x9b: {  	s22 =	simm.s32 $0x1BFF;
	s21 =	sshll.u32 s5, $0x1;
	s2 =	sadd.s32 s19, s18  }
0x9c: {  	s6 =	simm.s32 $0x0;
	s20 =	sshll.u32 s4, $0x1;
	s4 =	sadd.s32 s21, s2  }
0x9d: {  	[timem:s6], [sflag:s22] =	dma.local [hbm:s4], s20  }
0x9e: {  	_ =	swait.ge [sflag:s22], s20  }
0x9f: {  	s3 =	ssub.s32 $0x0, s20;
	[sflag:s22] =	ssyncset.done $0x0  }
0xa0: {  	[sflag:s22] =	ssyncadd.s32 s3;
	_ =	sdelay $0x1  }
0xa1: {  	s23 =	simm.s32 $0x1B8B  }
0xa2: {  	_ =	swait.ge [sflag:s23], $0x1  }
0xa3: {  	[sflag:s23] =	ssyncset.done $0x0  }
0xa4: {  	s25 =	simm.s32 $0x1B8E;
	s24 =	sld [smem:$0x3FFE];
	[sflag:s23] =	ssyncadd.s32 $0xFFFFFFFF  }
0xa5: {  	s26 =	simm.s32 $execute0_lowered;
	[smem:$0x3FD2] =	sst s25  }
0xa6: {  	s4 =	sshll.u32 s26, $0x1;
	_ =	strace $0x80000046;
	[dreg:$0x1] =	wrdreg $0xFFFFFFFF  }
0xa7: {  	s28 =	simm.s32 $_size_execute0_lowered;
	s2 =	sadd.s32 s2, s4;
	[dreg:$0x0] =	wrdreg $0x0  }
0xa8: {  	s4 =	sshll.u32 s28, $0x1;
	[dreg:$0x2] =	wrdreg s2  }
0xa9: {  	[dreg:$0x3] =	wrdreg s4  }
0xaa: {  	[dreg:$0x4] =	wrdreg $0xC0  }
0xab: {  	_ =	task [dreg:s6], $0x5FFFF  }
0xac: {  	[dreg:$0x1] =	wrdreg $0xFFFFFFFF  }
0xad: {  	[dreg:$0x0] =	wrdreg $0x60  }
0xae: {  	[dreg:$0x2] =	wrdreg s24  }
0xaf: {  	[dreg:$0x3] =	wrdreg $0x9  }
0xb0: {  	_ =	task.clear_ibuf [dreg:s6], $0x4FFFF;
	_ =	strace $0x90000046  }
0xb1: {  	s29 =	simm.s32 $0x9;
	_ =	strace $0x80000048  }
0xb2: {  	_ =	swait.ge [sflag:s29], $0x1  }
0xb3: {  	[sflag:s29] =	ssyncadd.s32 $0xFFFFFFFF  }
0xb4: {  	_ =	strace $0x90000048  }
0xb5: {  	_ =	sfence  }
0xb6: {  	s30 =	sld [smem:$0x0];
	_ =	sdelay $0x2  }
0xb7: {  	s31 =	sshll.u32 s1, $0xD;
	s1 =	sshrl.u32 s1, $0x2  }
0xb8: {  	s3 =	sand.u32 $0x4000, s31;
	s1 =	sadd.s32 s1, s30  }
0xb9: {  	s0 =	sor.u32 s3, s0;
	s1 =	sshll.u32 s1, $0x11  }
0xba: {  	s0 =	sor.u32 s1, s0  }
0xbb: {  	s0 =	sadd.s32 $0x8F2B, s0  }
0xbc: {  	[sflag:s0] =	ssyncadd.remote.s32 $0x1  }
0xbd: {  	_ =	sfence.sel $0xFFFF  }
0xbe: {  	[dreg:$0x0] =	wrdreg $0xFFFFFFFF;
	(pc) =	sbr.abs _section_cstart, $3  }
0xbf: {  	[dreg:$0x1] =	wrdreg $0xFFFFFFFF  }
0xc0: {  	_ =	task.clear_ibuf [dreg:s6], $0x2FFFF;
	_ =	strace $0x9FFFFFFF  }
0xc1: {  	(tm) =	ssettm $0x7FFFFFFF  }
tec
execute0_lowered:
.L_overlay_start_1:
0x0: {  	(tag) =	ssettag $0x1  }
0x1: {  	s5 =	rddreg [dreg:$0x0]  }
0x2: {  	s0 =	rddreg [dreg:$0x1];
	s1 =	simm.s32 $0x0  }
0x3: {  	s2 =	srdreg.scid;
	s10 =	simm.s32 $0x100;
	s11 =	simm.s32 $0x200  }
0x4: {  	s12 =	simm.s32 $0x180;
	s13 =	simm.s32 $0x4200;
	s14 =	simm.s32 $0x1  }
0x5: {  	s15 =	simm.s32 $0x8200;
	s16 =	simm.s32 $0x0;
	[smem:$0x7FF] =	sst s1  }
0x6: {  	s6 =	sand.u32 $0x1, s2;
	s2 =	stileid.u32;
	s3 =	sadd.s32 $0x188800, s5  }
0x7: {  	s4 =	sadd.s32 $0x18EC00, s5;
	s5 =	sadd.s32 $0x49C200, s5;
	s7 =	ssub.s32 $0x2, s6  }
0x8: {  	_ =	strace $0x80000047;
	s9 =	sshll.u32 s2, $0x1;
	s8 =	sshrl.u32 s7, $0x1  }
0x9: {  	s6 =	sor.u32 s6, s9;
	s9 =	simm.s32 $0x80;
	s7 =	ssub.s32 s7, s8  }
0xa: {  	s6 =	smul.u32 $0x19, s6;
	s8 =	simm.s32 $0x2;
	s7 =	smax.u32 s7, $0x1  }
.LBB2_1:
0xb: {  	s17 =	simm.s32 $0x0  }
.LBB2_2:
0xc: {  	s18 =	sadd.s32 s6, s17  }
0xd: {  	s19 =	sshll.u32 s18, $0x5  }
0xe: {  	s20 =	simm.s32 $0x0;
	s19 =	sadd.s32 s3, s19  }
0xf: {  	[tilespmem:s20], [sflag:$0x2] =	stream.linear.gather [hbm4b:s19+s20], $0x100, $0x38;
	[tilespmem:$0x10200] =	vst v63  }
0x10: {  	_ =	swait.ge [sflag:s8], $0x100  }
0x11: {  	[sflag:s8] =	ssyncset.done $0x0  }
0x12: {  	[sflag:s8] =	ssyncadd.s32 $0xFFFFFF00  }
0x13: {  	v0 =	vld [tilespmem:$0x0]  }
0x14: {  	v1 =	vld [tilespmem:$0x10]  }
0x15: {  	v3 =	vld [tilespmem:$0x20]  }
0x16: {  	v5 =	vld [tilespmem:$0x30]  }
0x17: {  	v7 =	vld [tilespmem:$0x40]  }
0x18: {  	v9 =	vld [tilespmem:$0x60]  }
0x19: {  	v10 =	vld [tilespmem:$0x70]  }
0x1a: {  	v48 =	vld [tilespmem:$0x80]  }
0x1b: {  	v12 =	vld [tilespmem:$0x90]  }
0x1c: {  	v2 =	vadd.s32 $0xFFFFFFFD, v0;
	v4 =	vadd.s32 $0xD, v0;
	vm11 =	vgt.s32 v0, $0x186A3  }
0x1d: {  	v13 =	vld [tilespmem:$0xA0];
	v6 =	vadd.s32 $0xFFFFFFFD, v3;
	vm13 =	vgt.s32 v1, $0x186A3;
	v8 =	vadd.s32 $0xD, v3  }
0x1e: {  	v54 =	vld [tilespmem:$0xB0];
	vm14 =	vgt.s32 v3, $0x186A3;
	vm4 =	vgt.s32 v5, $0x186A3;
	vm6 =	vgt.s32 v7, $0x186A3  }
0x1f: {  	vm10 =	vgt.s32 v9, $0x186A3;
	v49 =	vadd.s32 $0xFFFFFFFD, v10;
	v50 =	vadd.s32 $0xD, v10  }
0x20: {  	v51 =	vadd.s32 $0xFFFFFFFD, v48;
	v53 =	vadd.s32 $0xFFFFFFFD, v12;
	vm0 =	vgt.s32 v2, $0x0  }
0x21: {  	v14 =	vadd.s32 $0xD, v48;
	v57 =	vadd.s32 $0xD, v12;
	v2 =	vnsel vm0, $0x0, v2  }
0x22: {  	v58 =	vadd.s32 $0xFFFFFFFD, v13;
	v0 =	vmin.u32 v2, $0x186A0;
	v2 =	vadd.s32 $0xFFFFFFFD, v1  }
0x23: {  	v60 =	vadd.s32 $0xFFFFFFFD, v54;
	vm1 =	vgt.s32 v6, $0x0;
	vm12 =	vgt.s32 v2, $0x0  }
0x24: {  	v0 =	vsel vm11, v4, v0;
	v4 =	vadd.s32 $0xD, v1;
	v2 =	vnsel vm12, $0x0, v2  }
0x25: {  	vm11 =	vgt.s32 v49, $0x0;
	vm12 =	vgt.s32 v10, $0x186A3;
	v1 =	vmin.u32 v2, $0x186A0  }
0x26: {  	v2 =	vnsel vm1, $0x0, v6;
	v1 =	vsel vm13, v4, v1;
	v4 =	vadd.s32 $0xFFFFFFFD, v5  }
0x27: {  	v62 =	vld [tilespmem:$0xE0];
	v2 =	vmin.u32 v2, $0x186A0;
	vm13 =	vgt.s32 v51, $0x0;
	vm15 =	vgt.s32 v4, $0x0  }
0x28: {  	v6 =	vld [tilespmem:$0x50];
	v2 =	vsel vm14, v8, v2;
	v52 =	vnsel vm13, $0x0, v51;
	vm14 =	vgt.s32 v48, $0x186A3  }
0x29: {  	v3 =	vnsel vm15, $0x0, v4;
	v4 =	vadd.s32 $0xD, v5;
	v5 =	vadd.s32 $0xFFFFFFFD, v7  }
0x2a: {  	vm15 =	vgt.s32 v53, $0x0;
	v55 =	vmin.u32 v52, $0x186A0;
	[tilespmem:$0x120] =	vst v2;
	v2 =	vadd.s32 $0xD, v13  }
0x2b: {  	v3 =	vmin.u32 v3, $0x186A0;
	vm5 =	vgt.s32 v5, $0x0;
	v56 =	vnsel vm15, $0x0, v53  }
0x2c: {  	v15 =	vld [tilespmem:$0xC0];
	[tilespmem:$0x100] =	vst v0;
	v0 =	vsel vm14, v14, v55;
	vm14 =	vgt.s32 v62, $0x186A3;
	v3 =	vsel vm4, v4, v3  }
0x2d: {  	v4 =	vnsel vm5, $0x0, v5;
	v5 =	vadd.s32 $0xD, v7;
	v47 =	vadd.s32 $0xFFFFFFFD, v6  }
0x2e: {  	v7 =	vadd.s32 $0xFFFFFFFD, v9;
	v11 =	vadd.s32 $0xD, v6;
	vm8 =	vgt.s32 v6, $0x186A3  }
0x2f: {  	vm4 =	vgt.s32 v12, $0x186A3;
	vm5 =	vgt.s32 v58, $0x0;
	v4 =	vmin.u32 v4, $0x186A0  }
0x30: {  	[tilespmem:$0x110] =	vst v1;
	vm7 =	vgt.s32 v47, $0x0;
	vm9 =	vgt.s32 v7, $0x0;
	v1 =	vnsel vm5, $0x0, v58  }
0x31: {  	[tilespmem:$0x130] =	vst v3;
	v3 =	vadd.s32 $0xFFFFFFFD, v15;
	v4 =	vsel vm6, v5, v4;
	v5 =	vnsel vm7, $0x0, v47  }
0x32: {  	v6 =	vnsel vm9, $0x0, v7;
	v7 =	vadd.s32 $0xD, v9;
	v9 =	vmin.u32 v56, $0x186A0  }
0x33: {  	vm6 =	vgt.s32 v13, $0x186A3;
	v1 =	vmin.u32 v1, $0x186A0;
	vm7 =	vgt.s32 v60, $0x0  }
0x34: {  	v61 =	vld [tilespmem:$0xD0];
	vm9 =	vgt.s32 v3, $0x0;
	v5 =	vmin.u32 v5, $0x186A0;
	v6 =	vmin.u32 v6, $0x186A0  }
0x35: {  	v59 =	vsel vm4, v57, v9;
	v1 =	vsel vm6, v2, v1;
	v2 =	vnsel vm7, $0x0, v60  }
0x36: {  	[tilespmem:$0x140] =	vst v4;
	v4 =	vadd.s32 $0xD, v54;
	v3 =	vnsel vm9, $0x0, v3;
	v5 =	vsel vm8, v11, v5  }
0x37: {  	v6 =	vsel vm10, v7, v6;
	v7 =	vnsel vm11, $0x0, v49;
	vm8 =	vgt.s32 v54, $0x186A3  }
0x38: {  	v63 =	vld [tilespmem:$0xF0];
	v2 =	vmin.u32 v2, $0x186A0;
	vm10 =	vgt.s32 v15, $0x186A3;
	v3 =	vmin.u32 v3, $0x186A0;
	[tilespmem:$0x150] =	vst v5  }
0x39: {  	v7 =	vmin.u32 v7, $0x186A0;
	v5 =	vadd.s32 $0xD, v15;
	[tilespmem:$0x160] =	vst v6;
	v6 =	vadd.s32 $0xFFFFFFFD, v61  }
0x3a: {  	[tilespmem:$0x180] =	vst v0;
	v2 =	vsel vm8, v4, v2;
	v4 =	vadd.s32 $0xFFFFFFFD, v62;
	v7 =	vsel vm12, v50, v7  }
0x3b: {  	[tilespmem:$0x190] =	vst v59;
	v3 =	vsel vm10, v5, v3;
	vm11 =	vgt.s32 v6, $0x0;
	vm12 =	vgt.s32 v61, $0x186A3  }
0x3c: {  	v5 =	vadd.s32 $0xD, v61;
	vm13 =	vgt.s32 v4, $0x0;
	[tilespmem:$0x1B0] =	vst v2;
	v2 =	vadd.s32 $0xD, v62  }
0x3d: {  	[tilespmem:$0x1A0] =	vst v1;
	v0 =	vnsel vm11, $0x0, v6;
	v1 =	vnsel vm13, $0x0, v4;
	v4 =	vadd.s32 $0xFFFFFFFD, v63  }
0x3e: {  	[tilespmem:$0x170] =	vst v7;
	v0 =	vmin.u32 v0, $0x186A0;
	v1 =	vmin.u32 v1, $0x186A0;
	vm2 =	vgt.s32 v4, $0x0  }
0x3f: {  	[tilespmem:$0x1C0] =	vst v3;
	v0 =	vsel vm12, v5, v0;
	v1 =	vsel vm14, v2, v1;
	v2 =	vnsel vm2, $0x0, v4  }
0x40: {  	vm15 =	vgt.s32 v63, $0x186A3;
	[tilespmem:$0x1D0] =	vst v0;
	v0 =	vadd.s32 $0xD, v63;
	v2 =	vmin.u32 v2, $0x186A0  }
0x41: {  	[tilespmem:$0x1E0] =	vst v1;
	v0 =	vsel vm15, v0, v2  }
0x42: {  	[tilespmem:$0x1F0] =	vst v0  }
0x43: {  	[tilespmem:s11], [sflag:$0x1] =	stream.indirect.gather [hbm4b:s4+s9], $0x80, s10, s9, $0xb8;
	[tilespmem:$0x10200] =	vst v63  }
0x44: {  	_ = 	snop  }
0x45: {  	[tilespmem:s13], [sflag:$0x1] =	stream.indirect.gather [hbm4b:s4+s9], $0x80, s12, s9, $0xb8;
	[tilespmem:$0x10200] =	vst v63  }
0x46: {  	_ =	swait.ge [sflag:s14], $0x4000  }
0x47: {  	[sflag:s14] =	ssyncset.done $0x0  }
0x48: {  	[sflag:s14] =	ssyncadd.s32 $0xFFFFC000  }
0x49: {  	_ =	swait.ge [sflag:s14], $0x4000  }
0x4a: {  	[sflag:s14] =	ssyncset.done $0x0  }
0x4b: {  	s19 =	simm.s32 $0x0;
	[sflag:s14] =	ssyncadd.s32 $0xFFFFC000  }
0x4c: {  	v3 =	vld [tilespmem:s19+$0x2B0]  }
0x4d: {  	v4 =	vld [tilespmem:s19+$0x200]  }
0x4e: {  	v5 =	vld [tilespmem:s19+$0x210]  }
0x4f: {  	v2 =	vld [tilespmem:s19+$0x220]  }
0x50: {  	v0 =	vld [tilespmem:s19+$0x230]  }
0x51: {  	v1 =	vld [tilespmem:s19+$0x280];
	[tilespmem:s19+$0x82B0] =	vst v3  }
0x52: {  	[tilespmem:s19+$0x8200] =	vst v4;
	v3 =	vld [tilespmem:s19+$0x290]  }
0x53: {  	s21 =	simm.s32 $0x800;
	s20 =	simm.s32 $0x100;
	[tilespmem:s19+$0x8210] =	vst v5;
	v4 =	vld [tilespmem:s19+$0x2A0]  }
.LBB2_3:
0x54: {  	p0 =	sne.s32 s21, $0x1FC00;
	v5 =	vld [tilespmem:s20+$0x2B0];
	[tilespmem:s19+$0x8220] =	vst v2  }
0x55: {  	v6 =	vld [tilespmem:s20+$0x200];
	[tilespmem:s19+$0x8230] =	vst v0  }
0x56: {  	v7 =	vld [tilespmem:s20+$0x210];
	[tilespmem:s19+$0x8280] =	vst v1  }
.Ltmp0:
0x57: {  	v2 =	vld [tilespmem:s20+$0x220];
	[tilespmem:s19+$0x8290] =	vst v3;
	(pc) =	sbr.rel @p0 .LBB2_3-.Ltmp0, $4  }
0x58: {  	v0 =	vld [tilespmem:s20+$0x230];
	[tilespmem:s19+$0x82A0] =	vst v4;
	s19 =	smov.u32 s20  }
0x59: {  	v1 =	vld [tilespmem:s19+$0x280];
	[tilespmem:s19+$0x82B0] =	vst v5  }
0x5a: {  	[tilespmem:s19+$0x8200] =	vst v6;
	v3 =	vld [tilespmem:s19+$0x290]  }
0x5b: {  	s20 =	sshra.s32 s21, $0x2;
	s21 =	sadd.s32 $0x400, s21;
	[tilespmem:s19+$0x8210] =	vst v7;
	v4 =	vld [tilespmem:s19+$0x2A0]  }
0x5c: {  	v5 =	vld [tilespmem:s20+$0x2B0];
	[tilespmem:s19+$0x8220] =	vst v2  }
0x5d: {  	v2 =	vld [tilespmem:s20+$0x200];
	[tilespmem:s19+$0x8230] =	vst v0  }
0x5e: {  	v0 =	vld [tilespmem:s20+$0x210];
	[tilespmem:s19+$0x8280] =	vst v1  }
0x5f: {  	v1 =	vld [tilespmem:s20+$0x220];
	[tilespmem:s19+$0x8290] =	vst v3  }
0x60: {  	v3 =	vld [tilespmem:s20+$0x230];
	[tilespmem:s19+$0x82A0] =	vst v4  }
0x61: {  	v4 =	vld [tilespmem:s20+$0x280];
	[tilespmem:s20+$0x82B0] =	vst v5  }
0x62: {  	v62 =	vld [tilespmem:s20+$0x290];
	[tilespmem:s20+$0x8200] =	vst v2  }
0x63: {  	v63 =	vld [tilespmem:s20+$0x2A0];
	[tilespmem:s20+$0x8210] =	vst v0  }
0x64: {  	[tilespmem:s20+$0x8220] =	vst v1  }
0x65: {  	[tilespmem:s20+$0x8230] =	vst v3  }
0x66: {  	s17 =	sadd.s32 $0x1, s17;
	[tilespmem:s20+$0x8280] =	vst v4  }
0x67: {  	s18 =	sshll.u32 s18, $0xC;
	p0 =	sne.s32 s17, $0x19;
	[tilespmem:s20+$0x8290] =	vst v62  }
.Ltmp1:
0x68: {  	s18 =	sadd.s32 s5, s18;
	[tilespmem:s20+$0x82A0] =	vst v63;
	(pc) =	sbr.rel @p0 .LBB2_2-.Ltmp1, $4  }
0x69: {  	[hbm4b:s18+s1] =	stream.linear.scatter [tilespmem:s15], [sflag:$0x2], $0x8000, $0x38;
	[tilespmem:$0x10200] =	vst v63  }
0x6a: {  	_ =	swait.ge [sflag:s8], $0x8000  }
0x6b: {  	[sflag:s8] =	ssyncset.done $0x0  }
0x6c: {  	[sflag:s8] =	ssyncadd.s32 $0xFFFF8000  }
0x6d: {  	s16 =	sadd.s32 $0x1, s16  }
0x6e: {  	p0 =	sne.s32 s16, s7  }
.Ltmp2:
0x6f: {  	_ = 	snop;
	(pc) =	sbr.rel @p0 .LBB2_1-.Ltmp2, $1  }
0x70: {  	_ =	sdelay $0x3  }
0x71: {  	_ =	sfence.sel $0x180000  }
0x72: {  	[bflag:$0x0] =	sbarrier.arrive $0xFFFF  }
0x73: {  	p0 =	sne.s32 s2, $0x0;
	_ =	strace $0x90000047  }
0x74: {  	s0 =	sadd.s32 @!p0 $0x100000, s0;
	[bflag:$0x2] =	sbarrier.arrive $0xFFFF  }
0x75: {  	[sflag:s0] =	ssyncadd.tile.s32 @!p0 $0x1;
	_ =	shalt  }
.Lfunc_end2:
_tile_overlayer_lowered:
.L_overlay_start_2:
0x76: {  	(tag) =	ssettag $0x2  }
0x77: {  	s0 =	rddreg [dreg:$0x0];
	s2 =	stileid.u32  }
0x78: {  	s1 =	rddreg [dreg:$0x1];
	p0 =	sne.s32 s2, $0x0  }
0x79: {  	s3 =	rddreg [dreg:$0x2];
	[bflag:$0x3] =	sbarrier.arrive $0xFFFF;
	s2 =	simm.s32 @!p0 $0x1C02  }
0x7a: {  	[timem:s3], [sflag:s2] =	dma.local @!p0 [hbm:s0], s1  }
0x7b: {  	s0 =	simm.s32 @!p0 $0x2  }
0x7c: {  	_ =	swait.ge @!p0 [sflag:s0], s1  }
0x7d: {  	s1 =	ssub.s32 @!p0 $0x0, s1;
	[sflag:s0] =	ssyncset.done @!p0 $0x0  }
0x7e: {  	[sflag:s0] =	ssyncadd.s32 @!p0 s1  }
0x7f: {  	[bflag:$0x3] =	sbarrier.arrive $0xFFFF  }
0x80: {  	_ =	shalt  }

// kernel: sparse-core-data-format-call.cloned.1.call-start
scs
called_computation_lowered:
.L_overlay_start_0:
0x0: {  	s2 =	sld [smem:$0x3FD9]  }
0x1: {  	s3 =	sld [smem:$0x3FFE];
	_ =	sdelay $0x1  }
0x2: {  	s1 =	srdreg.scid  }
0x3: {  	s0 =	sand.u32 $0x1, s1  }
0x4: {  	s18 =	sshll.u32 s0, $0xA;
	s2 =	sadd.s32 s3, s2  }
0x5: {  	s2 =	sadd.s32 s2, s18  }
0x6: {  	[smem:$0x3FC5] =	sst s2  }
0x7: {  	_ = 	snop  }
0x8: {  	s2 =	sld [smem:$0x3FD0];
	(tm) =	ssettm $0x1  }
0x9: {  	s19 =	sld [smem:$0x3FFB];
	_ =	sdelay $0x3  }
0xa: {  	_ =	strace s19  }
0xb: {  	s3 =	sld [smem:$0x3FFC];
	_ =	sdelay $0x3  }
0xc: {  	_ =	strace s3  }
0xd: {  	s3 =	sld [smem:$0x3FFD];
	_ =	sdelay $0x3  }
0xe: {  	_ =	strace s3  }
0xf: {  	_ =	strace $0x8FFFFFFF  }
0x10: {  	s20 =	sld [smem:$0x3FDB];
	_ =	sdelay $0x1  }
0x11: {  	s4 =	simm.s32 $_scs_section_size  }
0x12: {  	s5 =	simm.s32 $_size__tile_overlayer_lowered;
	s6 =	simm.s32 $_tile_overlayer_lowered  }
0x13: {  	s23 =	simm.s32 $0x1BFF;
	s22 =	sshll.u32 s6, $0x1;
	s3 =	sadd.s32 s4, s20  }
0x14: {  	s7 =	simm.s32 $0x0;
	s21 =	sshll.u32 s5, $0x1;
	s5 =	sadd.s32 s22, s3  }
0x15: {  	[timem:s7], [sflag:s23] =	dma.local [hbm:s5], s21  }
0x16: {  	_ =	swait.ge [sflag:s23], s21  }
0x17: {  	s4 =	ssub.s32 $0x0, s21;
	[sflag:s23] =	ssyncset.done $0x0  }
0x18: {  	[sflag:s23] =	ssyncadd.s32 s4;
	_ =	sdelay $0x1  }
0x19: {  	s24 =	simm.s32 $0x1B8B  }
0x1a: {  	_ =	swait.ge [sflag:s24], $0x1  }
0x1b: {  	[sflag:s24] =	ssyncset.done $0x0  }
0x1c: {  	s26 =	simm.s32 $0x1B8E;
	s25 =	sld [smem:$0x3FFE];
	[sflag:s24] =	ssyncadd.s32 $0xFFFFFFFF  }
0x1d: {  	s27 =	simm.s32 $execute0_lowered;
	[smem:$0x3FD2] =	sst s26  }
0x1e: {  	s5 =	sshll.u32 s27, $0x1;
	_ =	strace $0x80000049;
	[dreg:$0x1] =	wrdreg $0xFFFFFFFF  }
0x1f: {  	s28 =	simm.s32 $_size_execute0_lowered;
	s3 =	sadd.s32 s3, s5;
	[dreg:$0x0] =	wrdreg $0x0  }
0x20: {  	s5 =	sshll.u32 s28, $0x1;
	[dreg:$0x2] =	wrdreg s3  }
0x21: {  	[dreg:$0x3] =	wrdreg s5  }
0x22: {  	[dreg:$0x4] =	wrdreg $0xC0  }
0x23: {  	_ =	task [dreg:s7], $0x5FFFF  }
0x24: {  	[dreg:$0x1] =	wrdreg $0xFFFFFFFF  }
0x25: {  	[dreg:$0x0] =	wrdreg $0x60  }
0x26: {  	[dreg:$0x2] =	wrdreg s25  }
0x27: {  	[dreg:$0x3] =	wrdreg s2  }
0x28: {  	[dreg:$0x4] =	wrdreg $0x9  }
0x29: {  	_ =	task.clear_ibuf [dreg:s7], $0x5FFFF;
	_ =	strace $0x90000049  }
0x2a: {  	s29 =	simm.s32 $0x9;
	_ =	strace $0x8000004B  }
0x2b: {  	_ =	swait.ge [sflag:s29], $0x1  }
0x2c: {  	[sflag:s29] =	ssyncadd.s32 $0xFFFFFFFF  }
0x2d: {  	_ =	strace $0x9000004B  }
0x2e: {  	_ =	sfence  }
0x2f: {  	s30 =	sld [smem:$0x0];
	_ =	sdelay $0x2  }
0x30: {  	s31 =	sshll.u32 s1, $0xD;
	s1 =	sshrl.u32 s1, $0x2  }
0x31: {  	s3 =	sand.u32 $0x4000, s31;
	s1 =	sadd.s32 s1, s30  }
0x32: {  	s0 =	sor.u32 s3, s0;
	s1 =	sshll.u32 s1, $0x11  }
0x33: {  	s0 =	sor.u32 s1, s0  }
0x34: {  	s0 =	sadd.s32 $0x8F2B, s0  }
0x35: {  	[sflag:s0] =	ssyncadd.remote.s32 $0x1  }
0x36: {  	_ =	sfence.sel $0xFFFF  }
0x37: {  	[dreg:$0x0] =	wrdreg $0xFFFFFFFF;
	(pc) =	sbr.abs _section_cstart, $3  }
0x38: {  	[dreg:$0x1] =	wrdreg $0xFFFFFFFF  }
0x39: {  	_ =	task.clear_ibuf [dreg:s7], $0x2FFFF;
	_ =	strace $0x9FFFFFFF  }
0x3a: {  	(tm) =	ssettm $0x7FFFFFFF  }
0x3b: {  	_ =	shalt  }
tec
execute0_lowered:
.L_overlay_start_1:
0x0: {  	(tag) =	ssettag $0x1  }
0x1: {  	s0 =	srdreg.scid  }
0x2: {  	s1 =	sshll.u32 s0, $0x4  }
0x3: {  	s0 =	stileid.u32;
	s1 =	sand.u32 $0x10, s1  }
0x4: {  	s1 =	sor.u32 s0, s1  }
0x5: {  	s6 =	rddreg [dreg:$0x0];
	s4 =	simm.s32 $0x1;
	s2 =	sshll.u32 s1, $0x7  }
0x6: {  	s7 =	simm.s32 $0x2;
	s12 =	simm.s32 $0x0;
	s1 =	ssub.s32 $0x1000, s2  }
0x7: {  	s8 =	simm.s32 $0x8000;
	s13 =	simm.s32 $0x0;
	s3 =	sand.u32 $0xF80, s1  }
0x8: {  	s9 =	simm.s32 $0x0;
	s5 =	sshrl.u32 s1, $0xC;
	p0 =	sne.s32 s3, $0x0  }
.Ltmp0:
0x9: {  	s1 =	rddreg [dreg:$0x2];
	s4 =	simm.s32 @!p0 $0x0;
	(pc) =	sbr.rel .LBB1_1-.Ltmp0, $4  }
0xa: {  	s11 =	simm.s32 $0x0;
	s3 =	rddreg [dreg:$0x1];
	s5 =	sadd.s32 s4, s5  }
0xb: {  	_ =	strace $0x8000004A;
	s4 =	simm.s32 $0x1;
	s5 =	smul.u32 $0x32, s5  }
0xc: {  	s6 =	sadd.s32 $0x1C00, s6;
	s10 =	smov.u32 s2;
	[sflag:s4] =	ssyncpa.u1 $0x0  }
0xd: {  	p0 =	por $0x0, $0x0;
	[sflag:s7] =	ssyncpa.u1 $0x0;
	s7 =	sor.u32 $0x1, s5  }
.LBB1_4:
0xe: {  	s16 =	sshll.u32 s13, $0x3;
	s17 =	sand.u32 $0x78, s13  }
0xf: {  	s30 =	sand.u32 $0x7E00, s13;
	s12 =	sshll.u32 s12, $0xF;
	s16 =	sand.u32 $0xC00, s16  }
0x10: {  	[tilespmem:s15+$0x810 ss:$0x81] =	vst.msk $0xffff, v2;
	s31 =	sand.u32 $0x7, s13;
	s16 =	sor.u32 s17, s16;
	s17 =	sadd.s32 s3, s30  }
0x11: {  	[tilespmem:s15+$0x1020 ss:$0x81] =	vst.msk $0xffff, v0;
	s13 =	sshll.u32 s31, $0x12;
	s12 =	sadd.s32 s12, s17;
	s16 =	sshrl.u32 s16, $0x3  }
0x12: {  	[tilespmem:s15+$0x0 ss:$0x81] =	vst.msk $0xffff, v1;
	s13 =	sor.u32 $0x400, s13;
	s12 =	sadd.s32 s16, s12  }
0x13: {  	[hbm4b:s12+s13] =	stream.strided.scatter [tilespmem:s14], [sflag:$0x2], $0x2000, s8, s13, $0x20;
	[tilespmem:$0x8080] =	vst v63  }
.LBB1_5:
0x14: {  	s14 =	sadd.s32 $0x1, s9  }
0x15: {  	s12 =	sadd.s32 $0x1000, s10;
	s16 =	smov.u32 s10;
	p2 =	sgt.s32 s14, $0x31  }
0x16: {  	s16 =	smov.u32 @p2 s12  }
0x17: {  	s14 =	simm.s32 @p2 $0x0;
	p2 =	sgt.s32 s16, $0xFFF  }
0x18: {  	s16 =	smov.u32 @p2 s2;
	p2 =	sne.s32 s11, s7  }
.Ltmp1:
0x19: {  	p1 =	slt.u32 s11, $0x2;
	(pc) =	sbr.rel @!p2 .LBB1_6-.Ltmp1, $4  }
0x1a: {  	s15 =	simm.s32 @!p1 $0x2  }
0x1b: {  	s13 =	smov.u32 s10;
	p0 =	por !p0, !p0;
	_ =	swait.ge @!p1 [sflag:s15], $0x2000  }
0x1c: {  	s12 =	smov.u32 s9;
	[sflag:s15] =	ssyncset.done @!p1 $0x0;
	s9 =	smov.u32 s14  }
0x1d: {  	s11 =	sadd.s32 $0x1, s11;
	[sflag:s15] =	ssyncadd.s32 @!p1 $0xFFFFE000;
	s10 =	smov.u32 s16  }
.LBB1_1:
0x1e: {  	p1 =	sge.u32 s11, s5  }
0x1f: {  	s14 =	sand.u32 @!p1 $0x1FFFFFF, s9  }
0x20: {  	s15 =	smulhi.u32 @!p1 $0x4924925, s14;
	_ =	sdelay $0x1  }
0x21: {  	s15 =	smul.u32 @!p1 $0x38, s15  }
0x22: {  	s16 =	sxor.u32 @!p1 $0xFFFFFFFF, s11;
	s17 =	smul.u32 @!p1 $0x380, s10  }
0x23: {  	s31 =	sadd.s32 $0xFFFFFFFF, s11;
	s16 =	sshll.u32 @!p1 s16, $0xD;
	s14 =	ssub.s32 @!p1 s14, s15  }
0x24: {  	s15 =	sand.u32 @!p1 $0x2000, s16;
	s16 =	sadd.s32 @!p1 s6, s17;
	s14 =	sshll.u32 @!p1 s14, $0x4  }
0x25: {  	s17 =	simm.s32 @!p1 $0x1C00;
	s14 =	sadd.s32 @!p1 s14, s16;
	s16 =	simm.s32 @!p1 $0x40  }
0x26: {  	[tilespmem:s15], [sflag:$0x1] =	stream.strided.gather @!p1 [hbm4b:s14+s16], $0x2000, s17, s16, $0x38;
	[tilespmem:$0x8080] =	vst v63  }
0x27: {  	p1 =	sge.u32 s31, s5  }
.Ltmp2:
0x28: {  	_ = 	snop;
	(pc) =	sbr.rel @p1 .LBB1_5-.Ltmp2, $1  }
0x29: {  	_ =	sdelay $0x3  }
0x2a: {  	s14 =	simm.s32 $0x1  }
0x2b: {  	_ =	swait.ge [sflag:s4], $0x2000;
	s14 =	simm.s32 @!p0 $0x0  }
0x2c: {  	[sflag:s4] =	ssyncset.done $0x0;
	s15 =	sshll.u32 s14, $0xD  }
0x2d: {  	[sflag:s4] =	ssyncadd.s32 $0xFFFFE000;
	s18 =	sor.u32 $0x20, s15  }
0x2e: {  	s14 =	smul.u32 $0x8100, s14;
	v3 =	vld [tilespmem:s18+$0x10]  }
0x2f: {  	s30 =	sand.u32 $0x1, s11;
	v2 =	vld [tilespmem:s18+$0xFFFFFFF0]  }
0x30: {  	s15 =	smul.u32 $0x8100, s30;
	s14 =	sshrl.u32 s14, $0x2;
	v0 =	vld [tilespmem:s18+$0x0]  }
0x31: {  	v1 =	vld [tilespmem:s18+$0xFFFFFFE0];
	s16 =	sor.u32 $0x4000, s14  }
0x32: {  	s31 =	sshrl.u32 s15, $0x2;
	s15 =	sadd.s32 $0x0, s16  }
0x33: {  	s17 =	simm.s32 $0x4;
	s18 =	sadd.s32 $0x40, s18;
	s14 =	sor.u32 $0x4000, s31;
	[tilespmem:s15+$0x1830 ss:$0x81] =	vst.msk $0xffff, v3  }
.LBB1_3:
0x34: {  	v3 =	vld [tilespmem:s18+$0x10];
	p1 =	sne.s32 s17, $0x1FC;
	[tilespmem:s15+$0x810 ss:$0x81] =	vst.msk $0xffff, v2;
	s19 =	smov.u32 s17;
	s17 =	sadd.s32 $0x4, s17  }
.Ltmp3:
0x35: {  	v2 =	vld [tilespmem:s18+$0xFFFFFFF0];
	[tilespmem:s15+$0x1020 ss:$0x81] =	vst.msk $0xffff, v0;
	(pc) =	sbr.rel @p1 .LBB1_3-.Ltmp3, $4  }
0x36: {  	v0 =	vld [tilespmem:s18+$0x0];
	[tilespmem:s15+$0x0 ss:$0x81] =	vst.msk $0xffff, v1  }
0x37: {  	s15 =	sshra.s32 s19, $0x2;
	v1 =	vld [tilespmem:s18+$0xFFFFFFE0]  }
0x38: {  	s15 =	sadd.s32 s15, s16  }
0x39: {  	s18 =	sadd.s32 $0x40, s18;
	[tilespmem:s15+$0x1830 ss:$0x81] =	vst.msk $0xffff, v3  }
.Ltmp4:
0x3a: {  	_ = 	snop;
	(pc) =	sbr.rel .LBB1_4-.Ltmp4, $1  }
0x3b: {  	_ =	sdelay $0x3  }
.LBB1_6:
0x3c: {  	_ =	sfence.sel $0x180000  }
0x3d: {  	s2 =	simm.s32 $0x1;
	[bflag:$0x0] =	sbarrier.arrive $0xFFFF  }
0x3e: {  	s31 =	simm.s32 $0x2;
	[sflag:s2] =	ssyncpa.u1 $0x1  }
0x3f: {  	[sflag:s31] =	ssyncpa.u1 $0x1  }
0x40: {  	p0 =	sne.s32 s0, $0x0;
	_ =	strace $0x9000004A  }
0x41: {  	s0 =	sadd.s32 @!p0 $0x100000, s1;
	[bflag:$0x2] =	sbarrier.arrive $0xFFFF  }
0x42: {  	[sflag:s0] =	ssyncadd.tile.s32 @!p0 $0x1;
	_ =	shalt  }
.Lfunc_end1:
_tile_overlayer_lowered:
.L_overlay_start_2:
0x43: {  	(tag) =	ssettag $0x2  }
0x44: {  	s0 =	rddreg [dreg:$0x0];
	s2 =	stileid.u32  }
0x45: {  	s1 =	rddreg [dreg:$0x1];
	p0 =	sne.s32 s2, $0x0  }
0x46: {  	s3 =	rddreg [dreg:$0x2];
	[bflag:$0x3] =	sbarrier.arrive $0xFFFF;
	s2 =	simm.s32 @!p0 $0x1C01  }
0x47: {  	[timem:s3], [sflag:s2] =	dma.local @!p0 [hbm:s0], s1  }
0x48: {  	s0 =	simm.s32 @!p0 $0x1  }
0x49: {  	_ =	swait.ge @!p0 [sflag:s0], s1  }
0x4a: {  	s1 =	ssub.s32 @!p0 $0x0, s1;
	[sflag:s0] =	ssyncset.done @!p0 $0x0  }
0x4b: {  	[sflag:s0] =	ssyncadd.s32 @!p0 s1  }
0x4c: {  	[bflag:$0x3] =	sbarrier.arrive $0xFFFF  }
0x4d: {  	_ =	shalt  }

</sc_bundles>
